<compile_context>
chip_gen: v7x
topology: tpu7x:2x2x1
jax: 0.10.2.dev20260603
libtpu: 0.0.44.dev20260713+nightly
codegen_flags: <defaults>
</compile_context>

<pallas_src>
import functools
import math

import jax
import jax.numpy as jnp
import numpy as np
from jax import lax
from jax.experimental import pallas as pl
from jax.experimental.pallas import tpu as pltpu
from jax.experimental.pallas import tpu_sc as plsc

_ALPHA = 0.1
_THETA = 0.5

_NC = 2
_NS = 16
_NW = _NC * _NS
_CHUNK = 128


def _sc_mesh():
    return plsc.VectorSubcoreMesh(
        core_axis_name="c", subcore_axis_name="s",
        num_cores=_NC, num_subcores=_NS)



def _pad_rows(n):
    per = -(-n // _NS)
    per = -(-per // 8) * 8
    return per * _NS, per


@functools.partial(jax.jit, static_argnums=(1,))
def _sc_degree(dst, n):
    e = dst.shape[0]
    ew = e // _NW
    nfull = ew // _CHUNK
    tail = ew % _CHUNK
    n_pad, rows_per_tile = _pad_rows(n)
    dcol = 128

    ones_rows = jnp.ones((_CHUNK, dcol), jnp.float32)
    zero_rows = jnp.zeros((_CHUNK, dcol), jnp.float32)

    @functools.partial(
        pl.kernel,
        out_type=jax.ShapeDtypeStruct((_NC, n_pad, dcol), jnp.float32),
        mesh=_sc_mesh(),
        scratch_types=[
            pltpu.VMEM((_CHUNK,), jnp.int32),
            pltpu.VMEM((_CHUNK,), jnp.int32),
            pltpu.VMEM((tail,), jnp.int32),
            pltpu.VMEM((_CHUNK, dcol), jnp.float32),
            pltpu.VMEM((_CHUNK, dcol), jnp.float32),
            pltpu.VMEM_SHARED((n_pad, dcol), jnp.float32),
            pltpu.SemaphoreType.DMA,
            pltpu.SemaphoreType.DMA,
        ],
    )
    def k(dst_hbm, ones_hbm, zeros_hbm, out_hbm, dst_a, dst_b, dstt_v,
          ones_v, zeros_v, acc_sh, sa, sb):
        cid = lax.axis_index("c")
        sid = lax.axis_index("s")
        wid = cid * _NS + sid
        base = wid * ew
        r0 = sid * rows_per_tile

        def issue(dv, ss, ci):
            pltpu.async_copy(
                dst_hbm.at[pl.ds(base + ci * _CHUNK, _CHUNK)], dv, ss)

        def drain(dv, ss, ci):
            pltpu.make_async_copy(
                dst_hbm.at[pl.ds(base + ci * _CHUNK, _CHUNK)], dv,
                ss).wait()

        pltpu.sync_copy(ones_hbm, ones_v)
        pltpu.sync_copy(zeros_hbm, zeros_v)
        zc = _CHUNK
        for j in range((rows_per_tile + zc - 1) // zc):
            m = min(zc, rows_per_tile - j * zc)
            pltpu.sync_copy(zeros_v.at[pl.ds(0, m)],
                            acc_sh.at[pl.ds(r0 + j * zc, m)])
        plsc.subcore_barrier()

        issue(dst_a, sa, 0)

        @pl.loop(0, nfull // 2 - 1)
        def body(gi):
            c0 = 2 * gi
            drain(dst_a, sa, c0)
            issue(dst_b, sb, c0 + 1)
            pltpu.sync_copy(ones_v, acc_sh.at[dst_a], add=True)
            drain(dst_b, sb, c0 + 1)
            issue(dst_a, sa, c0 + 2)
            pltpu.sync_copy(ones_v, acc_sh.at[dst_b], add=True)

        c0 = nfull - 2
        drain(dst_a, sa, c0)
        issue(dst_b, sb, c0 + 1)
        pltpu.sync_copy(ones_v, acc_sh.at[dst_a], add=True)
        drain(dst_b, sb, c0 + 1)
        pltpu.sync_copy(ones_v, acc_sh.at[dst_b], add=True)

        if tail:
            pltpu.sync_copy(dst_hbm.at[pl.ds(base + nfull * _CHUNK, tail)],
                            dstt_v)
            pltpu.sync_copy(ones_v.at[pl.ds(0, tail)], acc_sh.at[dstt_v],
                            add=True)
        plsc.subcore_barrier()
        pltpu.sync_copy(acc_sh.at[pl.ds(r0, rows_per_tile)],
                        out_hbm.at[cid, pl.ds(r0, rows_per_tile)])

    return k(dst, ones_rows, zero_rows)



def _sc_scatter_build(n, d, e):
    ew = e // _NW
    nfull = ew // _CHUNK
    tail = ew % _CHUNK
    n_pad, rows_per_tile = _pad_rows(n)

    @functools.partial(
        pl.kernel,
        out_type=jax.ShapeDtypeStruct((_NC, n_pad, d), jnp.float32),
        mesh=_sc_mesh(),
        scratch_types=[
            pltpu.VMEM((_CHUNK,), jnp.int32),
            pltpu.VMEM((_CHUNK,), jnp.int32),
            pltpu.VMEM((_CHUNK,), jnp.int32),
            pltpu.VMEM((_CHUNK,), jnp.int32),
            pltpu.VMEM((tail,), jnp.int32),
            pltpu.VMEM((tail,), jnp.int32),
            pltpu.VMEM((_CHUNK, d), jnp.float32),
            pltpu.VMEM((_CHUNK, d), jnp.float32),
            pltpu.VMEM((tail, d), jnp.float32),
            pltpu.VMEM_SHARED((n_pad, d), jnp.float32),
        ] + [pltpu.SemaphoreType.DMA] * 8,
    )
    def k(table_hbm, src_hbm, dst_hbm, zeros_hbm, out_hbm,
          src_a, dst_a, src_b, dst_b, srct_v, dstt_v, rows_a, rows_b,
          rowst_v, acc_sh, sga, sgb, ssa, ssb, sas, sad, sbs, sbd):
        cid = lax.axis_index("c")
        sid = lax.axis_index("s")
        wid = cid * _NS + sid
        base = wid * ew
        r0 = sid * rows_per_tile

        def issue(sv, dv, ss, sd, ci):
            eb = base + ci * _CHUNK
            ca = pltpu.async_copy(src_hbm.at[pl.ds(eb, _CHUNK)], sv, ss)
            cb = pltpu.async_copy(dst_hbm.at[pl.ds(eb, _CHUNK)], dv, sd)
            return ca, cb

        def drain(sv, dv, ss, sd, ci):
            eb = base + ci * _CHUNK
            pltpu.make_async_copy(src_hbm.at[pl.ds(eb, _CHUNK)], sv,
                                  ss).wait()
            pltpu.make_async_copy(dst_hbm.at[pl.ds(eb, _CHUNK)], dv,
                                  sd).wait()

        pltpu.sync_copy(zeros_hbm, rows_a)
        zc = _CHUNK
        for j in range((rows_per_tile + zc - 1) // zc):
            m = min(zc, rows_per_tile - j * zc)
            pltpu.sync_copy(rows_a.at[pl.ds(0, m)],
                            acc_sh.at[pl.ds(r0 + j * zc, m)])
        plsc.subcore_barrier()

        def pair(c0, prefetch):
            drain(src_a, dst_a, sas, sad, c0)
            drain(src_b, dst_b, sbs, sbd, c0 + 1)
            ga = pltpu.async_copy(table_hbm.at[src_a], rows_a, sga)
            gb = pltpu.async_copy(table_hbm.at[src_b], rows_b, sgb)
            if prefetch:
                issue(src_a, dst_a, sas, sad, c0 + 2)
                issue(src_b, dst_b, sbs, sbd, c0 + 3)
            ga.wait()
            gb.wait()
            pltpu.sync_copy(rows_a, acc_sh.at[dst_a], add=True)
            pltpu.sync_copy(rows_b, acc_sh.at[dst_b], add=True)

        issue(src_a, dst_a, sas, sad, 0)
        issue(src_b, dst_b, sbs, sbd, 1)

        @pl.loop(0, nfull // 2 - 1)
        def body(gi):
            pair(2 * gi, True)

        pair(nfull - 2, False)

        if tail:
            eb = base + nfull * _CHUNK
            pltpu.sync_copy(src_hbm.at[pl.ds(eb, tail)], srct_v)
            pltpu.sync_copy(dst_hbm.at[pl.ds(eb, tail)], dstt_v)
            pltpu.async_copy(table_hbm.at[srct_v], rowst_v, sga).wait()
            pltpu.sync_copy(rowst_v, acc_sh.at[dstt_v], add=True)
        plsc.subcore_barrier()
        pltpu.sync_copy(acc_sh.at[pl.ds(r0, rows_per_tile)],
                        out_hbm.at[cid, pl.ds(r0, rows_per_tile)])

    return k


@functools.partial(jax.jit, static_argnums=())
def _sc_scatter(table, src, dst):
    n, d = table.shape
    zero_rows = jnp.zeros((_CHUNK, d), jnp.float32)
    k = _sc_scatter_build(n, d, src.shape[0])
    return k(table, src, dst, zero_rows)



_BLK = 1000


def _dinv_from_degp(degp):
    deg = degp[0, :, 0] + degp[1, :, 0] + 1.0
    return lax.rsqrt(deg)


def _pre_body(degp_ref, x_ref, w1_ref, b1_ref, h_ref, hs_ref):
    dinv = _dinv_from_degp(degp_ref[...])
    h = jnp.maximum(
        jnp.dot(x_ref[...], w1_ref[...],
                preferred_element_type=jnp.float32) + b1_ref[...], 0.0)
    h_ref[...] = h
    hs_ref[...] = h * dinv[:, None]


def _pre(degp, x, w1, b1):
    n, dft = x.shape
    hid = w1.shape[1]
    grid = n // _BLK
    return pl.pallas_call(
        _pre_body,
        grid=(grid,),
        in_specs=[
            pl.BlockSpec((_NC, _BLK, 128), lambda i: (0, i, 0)),
            pl.BlockSpec((_BLK, dft), lambda i: (i, 0)),
            pl.BlockSpec((dft, hid), lambda i: (0, 0)),
            pl.BlockSpec((1, hid), lambda i: (0, 0)),
        ],
        out_specs=[
            pl.BlockSpec((_BLK, hid), lambda i: (i, 0)),
            pl.BlockSpec((_BLK, hid), lambda i: (i, 0)),
        ],
        out_shape=[
            jax.ShapeDtypeStruct((n, hid), jnp.float32),
            jax.ShapeDtypeStruct((n, hid), jnp.float32),
        ],
    )(degp, x, w1, b1.reshape(1, hid))


def _layer_body(beta, degp_ref, part_ref, curs_ref, x0_ref, w_ref,
                cur_ref, curs_out_ref):
    dinv = _dinv_from_degp(degp_ref[...])
    s = part_ref[0] + part_ref[1] + curs_ref[...]
    agg = s * dinv[:, None]
    out = (1.0 - _ALPHA) * agg + _ALPHA * x0_ref[...]
    out = (1.0 - beta) * out + beta * jnp.dot(
        out, w_ref[...], preferred_element_type=jnp.float32)
    cur = jnp.maximum(out, 0.0)
    cur_ref[...] = cur
    curs_out_ref[...] = cur * dinv[:, None]


def _layer(beta, degp, part, curs, x0, w):
    n, hid = x0.shape
    grid = n // _BLK
    return pl.pallas_call(
        functools.partial(_layer_body, beta),
        grid=(grid,),
        in_specs=[
            pl.BlockSpec((_NC, _BLK, 128), lambda i: (0, i, 0)),
            pl.BlockSpec((_NC, _BLK, hid), lambda i: (0, i, 0)),
            pl.BlockSpec((_BLK, hid), lambda i: (i, 0)),
            pl.BlockSpec((_BLK, hid), lambda i: (i, 0)),
            pl.BlockSpec((hid, hid), lambda i: (0, 0)),
        ],
        out_specs=[
            pl.BlockSpec((_BLK, hid), lambda i: (i, 0)),
            pl.BlockSpec((_BLK, hid), lambda i: (i, 0)),
        ],
        out_shape=[
            jax.ShapeDtypeStruct((n, hid), jnp.float32),
            jax.ShapeDtypeStruct((n, hid), jnp.float32),
        ],
    )(degp, part, curs, x0, w)


def _final_body(cur_ref, w2_ref, b2_ref, o_ref):
    logits = jnp.dot(cur_ref[...], w2_ref[...],
                     preferred_element_type=jnp.float32) + b2_ref[...]
    m = jnp.max(logits, axis=1, keepdims=True)
    shifted = logits - m
    lse = jnp.log(jnp.sum(jnp.exp(shifted), axis=1, keepdims=True))
    o_ref[...] = shifted - lse


def _final(cur, w2, b2):
    n, hid = cur.shape
    nc = w2.shape[1]
    grid = n // _BLK
    return pl.pallas_call(
        _final_body,
        grid=(grid,),
        in_specs=[
            pl.BlockSpec((_BLK, hid), lambda i: (i, 0)),
            pl.BlockSpec((hid, nc), lambda i: (0, 0)),
            pl.BlockSpec((1, nc), lambda i: (0, 0)),
        ],
        out_specs=pl.BlockSpec((_BLK, nc), lambda i: (i, 0)),
        out_shape=jax.ShapeDtypeStruct((n, nc), jnp.float32),
    )(cur, w2, b2.reshape(1, nc))



def kernel(x, edge_index, y, W1, b1, Ws, W2, b2):
    n = x.shape[0]
    src = edge_index[0]
    dst = edge_index[1]
    degp = _sc_degree(dst, n)
    h, curs = _pre(degp, x, W1, b1)
    x0 = h
    cur = h
    for i in range(Ws.shape[0]):
        part = _sc_scatter(curs, src, dst)
        beta = float(np.log(_THETA / (i + 1) + 1.0))
        cur, curs = _layer(beta, degp, part, curs, x0, Ws[i])
    return _final(cur, W2, b2)

# --- scband reference (transcript-rebuilt; emitter-appended) ---
"""Pipeline reference for scband-gcnii-36215164240764 (READ-ONLY COPY).

The authoritative reference and input builder live on the scoring server;
editing this copy changes nothing except your own understanding.
"""

import jax, jax.numpy as jnp
import numpy as np

N = 10000
E = 320000
D_FEAT = 128
HIDDEN = 128
N_CLASSES = 64
N_LAYERS = 4
ALPHA = 0.1
THETA = 0.5


def setup_inputs(seed: int = 0):
    key = jax.random.key(seed)
    ks = jax.random.split(key, 8)
    x = jax.random.normal(ks[0], (N, D_FEAT), dtype=jnp.float32)
    edge_index = jax.random.randint(ks[1], (2, E), 0, N, dtype=jnp.int32)
    y = jax.random.randint(ks[2], (N,), 0, N_CLASSES, dtype=jnp.int32)
    W1 = jax.random.normal(ks[3], (D_FEAT, HIDDEN), dtype=jnp.float32) * 0.05
    b1 = jnp.zeros((HIDDEN,), dtype=jnp.float32)
    Ws = jax.random.normal(ks[4], (N_LAYERS, HIDDEN, HIDDEN), dtype=jnp.float32) * 0.05
    W2 = jax.random.normal(ks[5], (HIDDEN, N_CLASSES), dtype=jnp.float32) * 0.05
    b2 = jnp.zeros((N_CLASSES,), dtype=jnp.float32)
    return {"x": x, "edge_index": edge_index, "y": y, "W1": W1, "b1": b1, "Ws": Ws, "W2": W2, "b2": b2}


def _norm_adj(edge_index, num_nodes):
    # GCN normalization with self-loops: D^{-1/2} (A + I) D^{-1/2}
    src = edge_index[0]
    dst = edge_index[1]
    loop = jnp.arange(num_nodes, dtype=src.dtype)
    src = jnp.concatenate([src, loop])
    dst = jnp.concatenate([dst, loop])
    deg = jnp.zeros((num_nodes,), dtype=jnp.float32).at[dst].add(jnp.ones(src.shape[0], dtype=jnp.float32))
    dinv = jnp.where(deg > 0, 1.0 / jnp.sqrt(deg), 0.0)
    w = dinv[src] * dinv[dst]
    return src, dst, w


def reference(x, edge_index, y, W1, b1, Ws, W2, b2):
    # dropout omitted (eval mode / p=0.0)
    num_nodes = x.shape[0]
    src, dst, w = _norm_adj(edge_index, num_nodes)
    h = jax.nn.relu(x @ W1 + b1)
    x0 = h
    cur = h
    for i in range(Ws.shape[0]):
        # GCN2Conv (shared_weights=True): propagate, initial-residual, identity-mapped weight
        msg = cur[src] * w[:, None]
        agg = jnp.zeros_like(cur).at[dst].add(msg)
        beta = float(np.log(THETA / (i + 1) + 1.0))
        out = (1.0 - ALPHA) * agg + ALPHA * x0
        out = (1.0 - beta) * out + beta * (out @ Ws[i])
        cur = jax.nn.relu(out)
    logits = cur @ W2 + b2
    return jax.nn.log_softmax(logits, axis=1)

if __name__ == "__main__":
    import jax
    _d = setup_inputs()
    print(jax.jit(kernel)(*tuple(_d.values())))

</pallas_src>

<mosaic_0001>
#map = affine_map<(d0, d1) -> (0)>
#map1 = affine_map<(d0, d1) -> (0, 0)>
#map2 = affine_map<(d0, d1) -> (0, 0, 0)>
module attributes {stable_mosaic.version = 14 : i64} {
  func.func @k(%arg0: i32, %arg1: i32, %arg2: memref<320000xi32, #tpu.memory_space<hbm>>, %arg3: memref<128x128xf32, #tpu.memory_space<hbm>>, %arg4: memref<128x128xf32, #tpu.memory_space<hbm>>, %arg5: memref<2x10112x128xf32, #tpu.memory_space<hbm>>, %arg6: memref<128xi32, #tpu.memory_space<vmem>>, %arg7: memref<128xi32, #tpu.memory_space<vmem>>, %arg8: memref<16xi32, #tpu.memory_space<vmem>>, %arg9: memref<128x128xf32, #tpu.memory_space<vmem>>, %arg10: memref<128x128xf32, #tpu.memory_space<vmem>>, %arg11: memref<10112x128xf32, #tpu.memory_space<vmem_shared>>, %arg12: memref<!tpu.dma_semaphore, #tpu.memory_space<semaphore_mem>>, %arg13: memref<!tpu.dma_semaphore, #tpu.memory_space<semaphore_mem>>) attributes {dimension_semantics = [#tpu.dimension_semantics<core_parallel>, #tpu.dimension_semantics<subcore_parallel>], iteration_bounds = array<i64: 2, 16>, scalar_prefetch = 0 : i64, scratch_operands = 8 : i64, tpu.core_type = #tpu.core_type<sc_vector_subcore>, window_params = [{transform_indices = #map}, {transform_indices = #map1}, {transform_indices = #map1}, {transform_indices = #map2}]} {
    %mul3A = arith.constant 16 : i32
    %mul3A_0 = arith.muli %arg0, %mul3A : i32
    %add3A = arith.addi %mul3A_0, %arg1 : i32
    %mul3A_1 = arith.constant 10000 : i32
    %mul3A_2 = arith.muli %add3A, %mul3A_1 : i32
    %mul3A_3 = arith.constant 632 : i32
    %mul3A_4 = arith.muli %arg1, %mul3A_3 : i32
    "tpu.region"() ({
      %run_scoped3A = tpu.sem_alloc : memref<!tpu.dma_semaphore, #tpu.memory_space<semaphore_mem>>
      tpu.enqueue_dma source(%arg3 : memref<128x128xf32, #tpu.memory_space<hbm>>) target(%arg9 : memref<128x128xf32, #tpu.memory_space<vmem>>) target_semaphore(%run_scoped3A : memref<!tpu.dma_semaphore, #tpu.memory_space<semaphore_mem>>)
      tpu.wait_dma2 semaphore(%run_scoped3A : memref<!tpu.dma_semaphore, #tpu.memory_space<semaphore_mem>>) src(%arg3 : memref<128x128xf32, #tpu.memory_space<hbm>>) dst(%arg9 : memref<128x128xf32, #tpu.memory_space<vmem>>)
      tpu.yield
    }) : () -> ()
    "tpu.region"() ({
      %run_scoped3A = tpu.sem_alloc : memref<!tpu.dma_semaphore, #tpu.memory_space<semaphore_mem>>
      tpu.enqueue_dma source(%arg4 : memref<128x128xf32, #tpu.memory_space<hbm>>) target(%arg10 : memref<128x128xf32, #tpu.memory_space<vmem>>) target_semaphore(%run_scoped3A : memref<!tpu.dma_semaphore, #tpu.memory_space<semaphore_mem>>)
      tpu.wait_dma2 semaphore(%run_scoped3A : memref<!tpu.dma_semaphore, #tpu.memory_space<semaphore_mem>>) src(%arg4 : memref<128x128xf32, #tpu.memory_space<hbm>>) dst(%arg10 : memref<128x128xf32, #tpu.memory_space<vmem>>)
      tpu.yield
    }) : () -> ()
    %add3A_5 = arith.constant 0 : i32
    %add3A_6 = arith.addi %mul3A_4, %add3A_5 : i32
    "tpu.region"() ({
      %run_scoped3A = tpu.sem_alloc : memref<!tpu.dma_semaphore, #tpu.memory_space<semaphore_mem>>
      %dma_start3A_36 = arith.constant 0 : i32
      %dma_start3A_37 = arith.constant 0 : i32
      %dma_start3A_38 = tpu.memref_slice %arg10[%dma_start3A_36, %dma_start3A_37] : memref<128x128xf32, #tpu.memory_space<vmem>> -> memref<128x128xf32, #tpu.memory_space<vmem>>
      %dma_start3A_39 = arith.constant 0 : i32
      %dma_start3A_40 = tpu.memref_slice %arg11[%add3A_6, %dma_start3A_39] : memref<10112x128xf32, #tpu.memory_space<vmem_shared>> -> memref<128x128xf32, #tpu.memory_space<vmem_shared>>
      %dma_start3A_41 = arith.constant 0 : i32
      %dma_start3A_42 = tpu.memref_slice %arg11[%add3A_6, %dma_start3A_41] : memref<10112x128xf32, #tpu.memory_space<vmem_shared>> -> memref<128x128xf32, #tpu.memory_space<vmem_shared>>
      %dma_start3A_43 = arith.constant 0 : i32
      %dma_start3A_44 = arith.constant 0 : i32
      %dma_start3A_45 = tpu.memref_slice %arg10[%dma_start3A_43, %dma_start3A_44] : memref<128x128xf32, #tpu.memory_space<vmem>> -> memref<128x128xf32, #tpu.memory_space<vmem>>
      tpu.enqueue_dma source(%dma_start3A_45 : memref<128x128xf32, #tpu.memory_space<vmem>>) target(%dma_start3A_42 : memref<128x128xf32, #tpu.memory_space<vmem_shared>>) target_semaphore(%run_scoped3A : memref<!tpu.dma_semaphore, #tpu.memory_space<semaphore_mem>>)
      %dma_wait3A_46 = arith.constant 0 : i32
      %dma_wait3A_47 = arith.constant 0 : i32
      %dma_wait3A_48 = tpu.memref_slice %arg10[%dma_wait3A_46, %dma_wait3A_47] : memref<128x128xf32, #tpu.memory_space<vmem>> -> memref<128x128xf32, #tpu.memory_space<vmem>>
      %dma_wait3A_49 = arith.constant 0 : i32
      %dma_wait3A_50 = tpu.memref_slice %arg11[%add3A_6, %dma_wait3A_49] : memref<10112x128xf32, #tpu.memory_space<vmem_shared>> -> memref<128x128xf32, #tpu.memory_space<vmem_shared>>
      %dma_wait3A_51 = arith.constant 0 : i32
      %dma_wait3A_52 = tpu.memref_slice %arg11[%add3A_6, %dma_wait3A_51] : memref<10112x128xf32, #tpu.memory_space<vmem_shared>> -> memref<128x128xf32, #tpu.memory_space<vmem_shared>>
      %dma_wait3A_53 = arith.constant 0 : i32
      %dma_wait3A_54 = arith.constant 0 : i32
      %dma_wait3A_55 = tpu.memref_slice %arg10[%dma_wait3A_53, %dma_wait3A_54] : memref<128x128xf32, #tpu.memory_space<vmem>> -> memref<128x128xf32, #tpu.memory_space<vmem>>
      tpu.wait_dma2 semaphore(%run_scoped3A : memref<!tpu.dma_semaphore, #tpu.memory_space<semaphore_mem>>) src(%dma_wait3A_55 : memref<128x128xf32, #tpu.memory_space<vmem>>) dst(%dma_wait3A_52 : memref<128x128xf32, #tpu.memory_space<vmem_shared>>)
      tpu.yield
    }) : () -> ()
    %add3A_7 = arith.constant 128 : i32
    %add3A_8 = arith.addi %mul3A_4, %add3A_7 : i32
    "tpu.region"() ({
      %run_scoped3A = tpu.sem_alloc : memref<!tpu.dma_semaphore, #tpu.memory_space<semaphore_mem>>
      %dma_start3A_36 = arith.constant 0 : i32
      %dma_start3A_37 = arith.constant 0 : i32
      %dma_start3A_38 = tpu.memref_slice %arg10[%dma_start3A_36, %dma_start3A_37] : memref<128x128xf32, #tpu.memory_space<vmem>> -> memref<128x128xf32, #tpu.memory_space<vmem>>
      %dma_start3A_39 = arith.constant 0 : i32
      %dma_start3A_40 = tpu.memref_slice %arg11[%add3A_8, %dma_start3A_39] : memref<10112x128xf32, #tpu.memory_space<vmem_shared>> -> memref<128x128xf32, #tpu.memory_space<vmem_shared>>
      %dma_start3A_41 = arith.constant 0 : i32
      %dma_start3A_42 = tpu.memref_slice %arg11[%add3A_8, %dma_start3A_41] : memref<10112x128xf32, #tpu.memory_space<vmem_shared>> -> memref<128x128xf32, #tpu.memory_space<vmem_shared>>
      %dma_start3A_43 = arith.constant 0 : i32
      %dma_start3A_44 = arith.constant 0 : i32
      %dma_start3A_45 = tpu.memref_slice %arg10[%dma_start3A_43, %dma_start3A_44] : memref<128x128xf32, #tpu.memory_space<vmem>> -> memref<128x128xf32, #tpu.memory_space<vmem>>
      tpu.enqueue_dma source(%dma_start3A_45 : memref<128x128xf32, #tpu.memory_space<vmem>>) target(%dma_start3A_42 : memref<128x128xf32, #tpu.memory_space<vmem_shared>>) target_semaphore(%run_scoped3A : memref<!tpu.dma_semaphore, #tpu.memory_space<semaphore_mem>>)
      %dma_wait3A_46 = arith.constant 0 : i32
      %dma_wait3A_47 = arith.constant 0 : i32
      %dma_wait3A_48 = tpu.memref_slice %arg10[%dma_wait3A_46, %dma_wait3A_47] : memref<128x128xf32, #tpu.memory_space<vmem>> -> memref<128x128xf32, #tpu.memory_space<vmem>>
      %dma_wait3A_49 = arith.constant 0 : i32
      %dma_wait3A_50 = tpu.memref_slice %arg11[%add3A_8, %dma_wait3A_49] : memref<10112x128xf32, #tpu.memory_space<vmem_shared>> -> memref<128x128xf32, #tpu.memory_space<vmem_shared>>
      %dma_wait3A_51 = arith.constant 0 : i32
      %dma_wait3A_52 = tpu.memref_slice %arg11[%add3A_8, %dma_wait3A_51] : memref<10112x128xf32, #tpu.memory_space<vmem_shared>> -> memref<128x128xf32, #tpu.memory_space<vmem_shared>>
      %dma_wait3A_53 = arith.constant 0 : i32
      %dma_wait3A_54 = arith.constant 0 : i32
      %dma_wait3A_55 = tpu.memref_slice %arg10[%dma_wait3A_53, %dma_wait3A_54] : memref<128x128xf32, #tpu.memory_space<vmem>> -> memref<128x128xf32, #tpu.memory_space<vmem>>
      tpu.wait_dma2 semaphore(%run_scoped3A : memref<!tpu.dma_semaphore, #tpu.memory_space<semaphore_mem>>) src(%dma_wait3A_55 : memref<128x128xf32, #tpu.memory_space<vmem>>) dst(%dma_wait3A_52 : memref<128x128xf32, #tpu.memory_space<vmem_shared>>)
      tpu.yield
    }) : () -> ()
    %add3A_9 = arith.constant 256 : i32
    %add3A_10 = arith.addi %mul3A_4, %add3A_9 : i32
    "tpu.region"() ({
      %run_scoped3A = tpu.sem_alloc : memref<!tpu.dma_semaphore, #tpu.memory_space<semaphore_mem>>
      %dma_start3A_36 = arith.constant 0 : i32
      %dma_start3A_37 = arith.constant 0 : i32
      %dma_start3A_38 = tpu.memref_slice %arg10[%dma_start3A_36, %dma_start3A_37] : memref<128x128xf32, #tpu.memory_space<vmem>> -> memref<128x128xf32, #tpu.memory_space<vmem>>
      %dma_start3A_39 = arith.constant 0 : i32
      %dma_start3A_40 = tpu.memref_slice %arg11[%add3A_10, %dma_start3A_39] : memref<10112x128xf32, #tpu.memory_space<vmem_shared>> -> memref<128x128xf32, #tpu.memory_space<vmem_shared>>
      %dma_start3A_41 = arith.constant 0 : i32
      %dma_start3A_42 = tpu.memref_slice %arg11[%add3A_10, %dma_start3A_41] : memref<10112x128xf32, #tpu.memory_space<vmem_shared>> -> memref<128x128xf32, #tpu.memory_space<vmem_shared>>
      %dma_start3A_43 = arith.constant 0 : i32
      %dma_start3A_44 = arith.constant 0 : i32
      %dma_start3A_45 = tpu.memref_slice %arg10[%dma_start3A_43, %dma_start3A_44] : memref<128x128xf32, #tpu.memory_space<vmem>> -> memref<128x128xf32, #tpu.memory_space<vmem>>
      tpu.enqueue_dma source(%dma_start3A_45 : memref<128x128xf32, #tpu.memory_space<vmem>>) target(%dma_start3A_42 : memref<128x128xf32, #tpu.memory_space<vmem_shared>>) target_semaphore(%run_scoped3A : memref<!tpu.dma_semaphore, #tpu.memory_space<semaphore_mem>>)
      %dma_wait3A_46 = arith.constant 0 : i32
      %dma_wait3A_47 = arith.constant 0 : i32
      %dma_wait3A_48 = tpu.memref_slice %arg10[%dma_wait3A_46, %dma_wait3A_47] : memref<128x128xf32, #tpu.memory_space<vmem>> -> memref<128x128xf32, #tpu.memory_space<vmem>>
      %dma_wait3A_49 = arith.constant 0 : i32
      %dma_wait3A_50 = tpu.memref_slice %arg11[%add3A_10, %dma_wait3A_49] : memref<10112x128xf32, #tpu.memory_space<vmem_shared>> -> memref<128x128xf32, #tpu.memory_space<vmem_shared>>
      %dma_wait3A_51 = arith.constant 0 : i32
      %dma_wait3A_52 = tpu.memref_slice %arg11[%add3A_10, %dma_wait3A_51] : memref<10112x128xf32, #tpu.memory_space<vmem_shared>> -> memref<128x128xf32, #tpu.memory_space<vmem_shared>>
      %dma_wait3A_53 = arith.constant 0 : i32
      %dma_wait3A_54 = arith.constant 0 : i32
      %dma_wait3A_55 = tpu.memref_slice %arg10[%dma_wait3A_53, %dma_wait3A_54] : memref<128x128xf32, #tpu.memory_space<vmem>> -> memref<128x128xf32, #tpu.memory_space<vmem>>
      tpu.wait_dma2 semaphore(%run_scoped3A : memref<!tpu.dma_semaphore, #tpu.memory_space<semaphore_mem>>) src(%dma_wait3A_55 : memref<128x128xf32, #tpu.memory_space<vmem>>) dst(%dma_wait3A_52 : memref<128x128xf32, #tpu.memory_space<vmem_shared>>)
      tpu.yield
    }) : () -> ()
    %add3A_11 = arith.constant 384 : i32
    %add3A_12 = arith.addi %mul3A_4, %add3A_11 : i32
    "tpu.region"() ({
      %run_scoped3A = tpu.sem_alloc : memref<!tpu.dma_semaphore, #tpu.memory_space<semaphore_mem>>
      %dma_start3A_36 = arith.constant 0 : i32
      %dma_start3A_37 = arith.constant 0 : i32
      %dma_start3A_38 = tpu.memref_slice %arg10[%dma_start3A_36, %dma_start3A_37] : memref<128x128xf32, #tpu.memory_space<vmem>> -> memref<128x128xf32, #tpu.memory_space<vmem>>
      %dma_start3A_39 = arith.constant 0 : i32
      %dma_start3A_40 = tpu.memref_slice %arg11[%add3A_12, %dma_start3A_39] : memref<10112x128xf32, #tpu.memory_space<vmem_shared>> -> memref<128x128xf32, #tpu.memory_space<vmem_shared>>
      %dma_start3A_41 = arith.constant 0 : i32
      %dma_start3A_42 = tpu.memref_slice %arg11[%add3A_12, %dma_start3A_41] : memref<10112x128xf32, #tpu.memory_space<vmem_shared>> -> memref<128x128xf32, #tpu.memory_space<vmem_shared>>
      %dma_start3A_43 = arith.constant 0 : i32
      %dma_start3A_44 = arith.constant 0 : i32
      %dma_start3A_45 = tpu.memref_slice %arg10[%dma_start3A_43, %dma_start3A_44] : memref<128x128xf32, #tpu.memory_space<vmem>> -> memref<128x128xf32, #tpu.memory_space<vmem>>
      tpu.enqueue_dma source(%dma_start3A_45 : memref<128x128xf32, #tpu.memory_space<vmem>>) target(%dma_start3A_42 : memref<128x128xf32, #tpu.memory_space<vmem_shared>>) target_semaphore(%run_scoped3A : memref<!tpu.dma_semaphore, #tpu.memory_space<semaphore_mem>>)
      %dma_wait3A_46 = arith.constant 0 : i32
      %dma_wait3A_47 = arith.constant 0 : i32
      %dma_wait3A_48 = tpu.memref_slice %arg10[%dma_wait3A_46, %dma_wait3A_47] : memref<128x128xf32, #tpu.memory_space<vmem>> -> memref<128x128xf32, #tpu.memory_space<vmem>>
      %dma_wait3A_49 = arith.constant 0 : i32
      %dma_wait3A_50 = tpu.memref_slice %arg11[%add3A_12, %dma_wait3A_49] : memref<10112x128xf32, #tpu.memory_space<vmem_shared>> -> memref<128x128xf32, #tpu.memory_space<vmem_shared>>
      %dma_wait3A_51 = arith.constant 0 : i32
      %dma_wait3A_52 = tpu.memref_slice %arg11[%add3A_12, %dma_wait3A_51] : memref<10112x128xf32, #tpu.memory_space<vmem_shared>> -> memref<128x128xf32, #tpu.memory_space<vmem_shared>>
      %dma_wait3A_53 = arith.constant 0 : i32
      %dma_wait3A_54 = arith.constant 0 : i32
      %dma_wait3A_55 = tpu.memref_slice %arg10[%dma_wait3A_53, %dma_wait3A_54] : memref<128x128xf32, #tpu.memory_space<vmem>> -> memref<128x128xf32, #tpu.memory_space<vmem>>
      tpu.wait_dma2 semaphore(%run_scoped3A : memref<!tpu.dma_semaphore, #tpu.memory_space<semaphore_mem>>) src(%dma_wait3A_55 : memref<128x128xf32, #tpu.memory_space<vmem>>) dst(%dma_wait3A_52 : memref<128x128xf32, #tpu.memory_space<vmem_shared>>)
      tpu.yield
    }) : () -> ()
    %add3A_13 = arith.constant 512 : i32
    %add3A_14 = arith.addi %mul3A_4, %add3A_13 : i32
    "tpu.region"() ({
      %run_scoped3A = tpu.sem_alloc : memref<!tpu.dma_semaphore, #tpu.memory_space<semaphore_mem>>
      %dma_start3A_36 = arith.constant 0 : i32
      %dma_start3A_37 = arith.constant 0 : i32
      %dma_start3A_38 = tpu.memref_slice %arg10[%dma_start3A_36, %dma_start3A_37] : memref<128x128xf32, #tpu.memory_space<vmem>> -> memref<120x128xf32, #tpu.memory_space<vmem>>
      %dma_start3A_39 = arith.constant 0 : i32
      %dma_start3A_40 = tpu.memref_slice %arg11[%add3A_14, %dma_start3A_39] : memref<10112x128xf32, #tpu.memory_space<vmem_shared>> -> memref<120x128xf32, #tpu.memory_space<vmem_shared>>
      %dma_start3A_41 = arith.constant 0 : i32
      %dma_start3A_42 = tpu.memref_slice %arg11[%add3A_14, %dma_start3A_41] : memref<10112x128xf32, #tpu.memory_space<vmem_shared>> -> memref<120x128xf32, #tpu.memory_space<vmem_shared>>
      %dma_start3A_43 = arith.constant 0 : i32
      %dma_start3A_44 = arith.constant 0 : i32
      %dma_start3A_45 = tpu.memref_slice %arg10[%dma_start3A_43, %dma_start3A_44] : memref<128x128xf32, #tpu.memory_space<vmem>> -> memref<120x128xf32, #tpu.memory_space<vmem>>
      tpu.enqueue_dma source(%dma_start3A_45 : memref<120x128xf32, #tpu.memory_space<vmem>>) target(%dma_start3A_42 : memref<120x128xf32, #tpu.memory_space<vmem_shared>>) target_semaphore(%run_scoped3A : memref<!tpu.dma_semaphore, #tpu.memory_space<semaphore_mem>>)
      %dma_wait3A_46 = arith.constant 0 : i32
      %dma_wait3A_47 = arith.constant 0 : i32
      %dma_wait3A_48 = tpu.memref_slice %arg10[%dma_wait3A_46, %dma_wait3A_47] : memref<128x128xf32, #tpu.memory_space<vmem>> -> memref<120x128xf32, #tpu.memory_space<vmem>>
      %dma_wait3A_49 = arith.constant 0 : i32
      %dma_wait3A_50 = tpu.memref_slice %arg11[%add3A_14, %dma_wait3A_49] : memref<10112x128xf32, #tpu.memory_space<vmem_shared>> -> memref<120x128xf32, #tpu.memory_space<vmem_shared>>
      %dma_wait3A_51 = arith.constant 0 : i32
      %dma_wait3A_52 = tpu.memref_slice %arg11[%add3A_14, %dma_wait3A_51] : memref<10112x128xf32, #tpu.memory_space<vmem_shared>> -> memref<120x128xf32, #tpu.memory_space<vmem_shared>>
      %dma_wait3A_53 = arith.constant 0 : i32
      %dma_wait3A_54 = arith.constant 0 : i32
      %dma_wait3A_55 = tpu.memref_slice %arg10[%dma_wait3A_53, %dma_wait3A_54] : memref<128x128xf32, #tpu.memory_space<vmem>> -> memref<120x128xf32, #tpu.memory_space<vmem>>
      tpu.wait_dma2 semaphore(%run_scoped3A : memref<!tpu.dma_semaphore, #tpu.memory_space<semaphore_mem>>) src(%dma_wait3A_55 : memref<120x128xf32, #tpu.memory_space<vmem>>) dst(%dma_wait3A_52 : memref<120x128xf32, #tpu.memory_space<vmem_shared>>)
      tpu.yield
    }) : () -> ()
    %barrier3A = arith.constant 0 : index
    tpu.barrier barrier_id(%barrier3A)
    %add3A_15 = arith.constant 0 : i32
    %add3A_16 = arith.addi %mul3A_2, %add3A_15 : i32
    %dma_start3A = tpu.memref_slice %arg2[%add3A_16] : memref<320000xi32, #tpu.memory_space<hbm>> -> memref<128xi32, #tpu.memory_space<hbm>>
    %dma_start3A_17 = tpu.memref_slice %arg2[%add3A_16] : memref<320000xi32, #tpu.memory_space<hbm>> -> memref<128xi32, #tpu.memory_space<hbm>>
    tpu.enqueue_dma source(%dma_start3A_17 : memref<128xi32, #tpu.memory_space<hbm>>) target(%arg6 : memref<128xi32, #tpu.memory_space<vmem>>) target_semaphore(%arg12 : memref<!tpu.dma_semaphore, #tpu.memory_space<semaphore_mem>>)
    %scan3A = arith.constant 0 : i32
    %scan3A_18 = arith.constant 38 : i32
    %scan3A_19 = arith.addi %scan3A, %scan3A_18 : i32
    %scan3A_20 = arith.constant 1 : i32
    scf.for %scan3A_36 = %scan3A to %scan3A_19 step %scan3A_20  : i32 {
      %mul3A_37 = arith.constant 1 : i32
      %mul3A_38 = arith.muli %scan3A_36, %mul3A_37 : i32
      %add3A_39 = arith.constant 0 : i32
      %add3A_40 = arith.addi %add3A_39, %mul3A_38 : i32
      %mul3A_41 = arith.constant 2 : i32
      %mul3A_42 = arith.muli %mul3A_41, %add3A_40 : i32
      %mul3A_43 = arith.constant 128 : i32
      %mul3A_44 = arith.muli %mul3A_42, %mul3A_43 : i32
      %add3A_45 = arith.addi %mul3A_2, %mul3A_44 : i32
      %dma_wait3A_46 = tpu.memref_slice %arg2[%add3A_45] : memref<320000xi32, #tpu.memory_space<hbm>> -> memref<128xi32, #tpu.memory_space<hbm>>
      %dma_wait3A_47 = tpu.memref_slice %arg2[%add3A_45] : memref<320000xi32, #tpu.memory_space<hbm>> -> memref<128xi32, #tpu.memory_space<hbm>>
      tpu.wait_dma2 semaphore(%arg12 : memref<!tpu.dma_semaphore, #tpu.memory_space<semaphore_mem>>) src(%dma_wait3A_47 : memref<128xi32, #tpu.memory_space<hbm>>) dst(%arg6 : memref<128xi32, #tpu.memory_space<vmem>>)
      %add3A_48 = arith.constant 1 : i32
      %add3A_49 = arith.addi %mul3A_42, %add3A_48 : i32
      %mul3A_50 = arith.constant 128 : i32
      %mul3A_51 = arith.muli %add3A_49, %mul3A_50 : i32
      %add3A_52 = arith.addi %mul3A_2, %mul3A_51 : i32
      %dma_start3A_53 = tpu.memref_slice %arg2[%add3A_52] : memref<320000xi32, #tpu.memory_space<hbm>> -> memref<128xi32, #tpu.memory_space<hbm>>
      %dma_start3A_54 = tpu.memref_slice %arg2[%add3A_52] : memref<320000xi32, #tpu.memory_space<hbm>> -> memref<128xi32, #tpu.memory_space<hbm>>
      tpu.enqueue_dma source(%dma_start3A_54 : memref<128xi32, #tpu.memory_space<hbm>>) target(%arg7 : memref<128xi32, #tpu.memory_space<vmem>>) target_semaphore(%arg13 : memref<!tpu.dma_semaphore, #tpu.memory_space<semaphore_mem>>)
      "tpu.region"() ({
        %run_scoped3A = tpu.sem_alloc : memref<!tpu.dma_semaphore, #tpu.memory_space<semaphore_mem>>
        %dma_start3A_69 = arith.constant 0 : i32
        %dma_start3A_70 = arith.constant 0 : i32
        %dma_start3A_71 = tpu.memref_slice %arg11[%dma_start3A_69, %dma_start3A_70] : memref<10112x128xf32, #tpu.memory_space<vmem_shared>> -> memref<10112x128xf32, #tpu.memory_space<vmem_shared>>
        tpu.enqueue_indirect_dma source(%arg9 : memref<128x128xf32, #tpu.memory_space<vmem>>) target(%dma_start3A_71 : memref<10112x128xf32, #tpu.memory_space<vmem_shared>>) offsets(%arg6 : memref<128xi32, #tpu.memory_space<vmem>>) semaphore(%run_scoped3A : memref<!tpu.dma_semaphore, #tpu.memory_space<semaphore_mem>>) {add = true}
        %dma_wait3A_72 = arith.constant 0 : i32
        %dma_wait3A_73 = arith.constant 0 : i32
        %dma_wait3A_74 = tpu.memref_slice %arg11[%dma_wait3A_72, %dma_wait3A_73] : memref<10112x128xf32, #tpu.memory_space<vmem_shared>> -> memref<10112x128xf32, #tpu.memory_space<vmem_shared>>
        tpu.wait_indirect_dma semaphore(%run_scoped3A : memref<!tpu.dma_semaphore, #tpu.memory_space<semaphore_mem>>) src(%arg9 : memref<128x128xf32, #tpu.memory_space<vmem>>) dst(%dma_wait3A_74 : memref<10112x128xf32, #tpu.memory_space<vmem_shared>>)
        tpu.yield
      }) : () -> ()
      %add3A_55 = arith.constant 1 : i32
      %add3A_56 = arith.addi %mul3A_42, %add3A_55 : i32
      %mul3A_57 = arith.constant 128 : i32
      %mul3A_58 = arith.muli %add3A_56, %mul3A_57 : i32
      %add3A_59 = arith.addi %mul3A_2, %mul3A_58 : i32
      %dma_wait3A_60 = tpu.memref_slice %arg2[%add3A_59] : memref<320000xi32, #tpu.memory_space<hbm>> -> memref<128xi32, #tpu.memory_space<hbm>>
      %dma_wait3A_61 = tpu.memref_slice %arg2[%add3A_59] : memref<320000xi32, #tpu.memory_space<hbm>> -> memref<128xi32, #tpu.memory_space<hbm>>
      tpu.wait_dma2 semaphore(%arg13 : memref<!tpu.dma_semaphore, #tpu.memory_space<semaphore_mem>>) src(%dma_wait3A_61 : memref<128xi32, #tpu.memory_space<hbm>>) dst(%arg7 : memref<128xi32, #tpu.memory_space<vmem>>)
      %add3A_62 = arith.constant 2 : i32
      %add3A_63 = arith.addi %mul3A_42, %add3A_62 : i32
      %mul3A_64 = arith.constant 128 : i32
      %mul3A_65 = arith.muli %add3A_63, %mul3A_64 : i32
      %add3A_66 = arith.addi %mul3A_2, %mul3A_65 : i32
      %dma_start3A_67 = tpu.memref_slice %arg2[%add3A_66] : memref<320000xi32, #tpu.memory_space<hbm>> -> memref<128xi32, #tpu.memory_space<hbm>>
      %dma_start3A_68 = tpu.memref_slice %arg2[%add3A_66] : memref<320000xi32, #tpu.memory_space<hbm>> -> memref<128xi32, #tpu.memory_space<hbm>>
      tpu.enqueue_dma source(%dma_start3A_68 : memref<128xi32, #tpu.memory_space<hbm>>) target(%arg6 : memref<128xi32, #tpu.memory_space<vmem>>) target_semaphore(%arg12 : memref<!tpu.dma_semaphore, #tpu.memory_space<semaphore_mem>>)
      "tpu.region"() ({
        %run_scoped3A = tpu.sem_alloc : memref<!tpu.dma_semaphore, #tpu.memory_space<semaphore_mem>>
        %dma_start3A_69 = arith.constant 0 : i32
        %dma_start3A_70 = arith.constant 0 : i32
        %dma_start3A_71 = tpu.memref_slice %arg11[%dma_start3A_69, %dma_start3A_70] : memref<10112x128xf32, #tpu.memory_space<vmem_shared>> -> memref<10112x128xf32, #tpu.memory_space<vmem_shared>>
        tpu.enqueue_indirect_dma source(%arg9 : memref<128x128xf32, #tpu.memory_space<vmem>>) target(%dma_start3A_71 : memref<10112x128xf32, #tpu.memory_space<vmem_shared>>) offsets(%arg7 : memref<128xi32, #tpu.memory_space<vmem>>) semaphore(%run_scoped3A : memref<!tpu.dma_semaphore, #tpu.memory_space<semaphore_mem>>) {add = true}
        %dma_wait3A_72 = arith.constant 0 : i32
        %dma_wait3A_73 = arith.constant 0 : i32
        %dma_wait3A_74 = tpu.memref_slice %arg11[%dma_wait3A_72, %dma_wait3A_73] : memref<10112x128xf32, #tpu.memory_space<vmem_shared>> -> memref<10112x128xf32, #tpu.memory_space<vmem_shared>>
        tpu.wait_indirect_dma semaphore(%run_scoped3A : memref<!tpu.dma_semaphore, #tpu.memory_space<semaphore_mem>>) src(%arg9 : memref<128x128xf32, #tpu.memory_space<vmem>>) dst(%dma_wait3A_74 : memref<10112x128xf32, #tpu.memory_space<vmem_shared>>)
        tpu.yield
      }) : () -> ()
    }
    %scan3A_21 = arith.constant 38 : i32
    %add3A_22 = arith.constant 9728 : i32
    %add3A_23 = arith.addi %mul3A_2, %add3A_22 : i32
    %dma_wait3A = tpu.memref_slice %arg2[%add3A_23] : memref<320000xi32, #tpu.memory_space<hbm>> -> memref<128xi32, #tpu.memory_space<hbm>>
    %dma_wait3A_24 = tpu.memref_slice %arg2[%add3A_23] : memref<320000xi32, #tpu.memory_space<hbm>> -> memref<128xi32, #tpu.memory_space<hbm>>
    tpu.wait_dma2 semaphore(%arg12 : memref<!tpu.dma_semaphore, #tpu.memory_space<semaphore_mem>>) src(%dma_wait3A_24 : memref<128xi32, #tpu.memory_space<hbm>>) dst(%arg6 : memref<128xi32, #tpu.memory_space<vmem>>)
    %add3A_25 = arith.constant 9856 : i32
    %add3A_26 = arith.addi %mul3A_2, %add3A_25 : i32
    %dma_start3A_27 = tpu.memref_slice %arg2[%add3A_26] : memref<320000xi32, #tpu.memory_space<hbm>> -> memref<128xi32, #tpu.memory_space<hbm>>
    %dma_start3A_28 = tpu.memref_slice %arg2[%add3A_26] : memref<320000xi32, #tpu.memory_space<hbm>> -> memref<128xi32, #tpu.memory_space<hbm>>
    tpu.enqueue_dma source(%dma_start3A_28 : memref<128xi32, #tpu.memory_space<hbm>>) target(%arg7 : memref<128xi32, #tpu.memory_space<vmem>>) target_semaphore(%arg13 : memref<!tpu.dma_semaphore, #tpu.memory_space<semaphore_mem>>)
    "tpu.region"() ({
      %run_scoped3A = tpu.sem_alloc : memref<!tpu.dma_semaphore, #tpu.memory_space<semaphore_mem>>
      %dma_start3A_36 = arith.constant 0 : i32
      %dma_start3A_37 = arith.constant 0 : i32
      %dma_start3A_38 = tpu.memref_slice %arg11[%dma_start3A_36, %dma_start3A_37] : memref<10112x128xf32, #tpu.memory_space<vmem_shared>> -> memref<10112x128xf32, #tpu.memory_space<vmem_shared>>
      tpu.enqueue_indirect_dma source(%arg9 : memref<128x128xf32, #tpu.memory_space<vmem>>) target(%dma_start3A_38 : memref<10112x128xf32, #tpu.memory_space<vmem_shared>>) offsets(%arg6 : memref<128xi32, #tpu.memory_space<vmem>>) semaphore(%run_scoped3A : memref<!tpu.dma_semaphore, #tpu.memory_space<semaphore_mem>>) {add = true}
      %dma_wait3A_39 = arith.constant 0 : i32
      %dma_wait3A_40 = arith.constant 0 : i32
      %dma_wait3A_41 = tpu.memref_slice %arg11[%dma_wait3A_39, %dma_wait3A_40] : memref<10112x128xf32, #tpu.memory_space<vmem_shared>> -> memref<10112x128xf32, #tpu.memory_space<vmem_shared>>
      tpu.wait_indirect_dma semaphore(%run_scoped3A : memref<!tpu.dma_semaphore, #tpu.memory_space<semaphore_mem>>) src(%arg9 : memref<128x128xf32, #tpu.memory_space<vmem>>) dst(%dma_wait3A_41 : memref<10112x128xf32, #tpu.memory_space<vmem_shared>>)
      tpu.yield
    }) : () -> ()
    %add3A_29 = arith.constant 9856 : i32
    %add3A_30 = arith.addi %mul3A_2, %add3A_29 : i32
    %dma_wait3A_31 = tpu.memref_slice %arg2[%add3A_30] : memref<320000xi32, #tpu.memory_space<hbm>> -> memref<128xi32, #tpu.memory_space<hbm>>
    %dma_wait3A_32 = tpu.memref_slice %arg2[%add3A_30] : memref<320000xi32, #tpu.memory_space<hbm>> -> memref<128xi32, #tpu.memory_space<hbm>>
    tpu.wait_dma2 semaphore(%arg13 : memref<!tpu.dma_semaphore, #tpu.memory_space<semaphore_mem>>) src(%dma_wait3A_32 : memref<128xi32, #tpu.memory_space<hbm>>) dst(%arg7 : memref<128xi32, #tpu.memory_space<vmem>>)
    "tpu.region"() ({
      %run_scoped3A = tpu.sem_alloc : memref<!tpu.dma_semaphore, #tpu.memory_space<semaphore_mem>>
      %dma_start3A_36 = arith.constant 0 : i32
      %dma_start3A_37 = arith.constant 0 : i32
      %dma_start3A_38 = tpu.memref_slice %arg11[%dma_start3A_36, %dma_start3A_37] : memref<10112x128xf32, #tpu.memory_space<vmem_shared>> -> memref<10112x128xf32, #tpu.memory_space<vmem_shared>>
      tpu.enqueue_indirect_dma source(%arg9 : memref<128x128xf32, #tpu.memory_space<vmem>>) target(%dma_start3A_38 : memref<10112x128xf32, #tpu.memory_space<vmem_shared>>) offsets(%arg7 : memref<128xi32, #tpu.memory_space<vmem>>) semaphore(%run_scoped3A : memref<!tpu.dma_semaphore, #tpu.memory_space<semaphore_mem>>) {add = true}
      %dma_wait3A_39 = arith.constant 0 : i32
      %dma_wait3A_40 = arith.constant 0 : i32
      %dma_wait3A_41 = tpu.memref_slice %arg11[%dma_wait3A_39, %dma_wait3A_40] : memref<10112x128xf32, #tpu.memory_space<vmem_shared>> -> memref<10112x128xf32, #tpu.memory_space<vmem_shared>>
      tpu.wait_indirect_dma semaphore(%run_scoped3A : memref<!tpu.dma_semaphore, #tpu.memory_space<semaphore_mem>>) src(%arg9 : memref<128x128xf32, #tpu.memory_space<vmem>>) dst(%dma_wait3A_41 : memref<10112x128xf32, #tpu.memory_space<vmem_shared>>)
      tpu.yield
    }) : () -> ()
    %add3A_33 = arith.constant 9984 : i32
    %add3A_34 = arith.addi %mul3A_2, %add3A_33 : i32
    "tpu.region"() ({
      %run_scoped3A = tpu.sem_alloc : memref<!tpu.dma_semaphore, #tpu.memory_space<semaphore_mem>>
      %dma_start3A_36 = tpu.memref_slice %arg2[%add3A_34] : memref<320000xi32, #tpu.memory_space<hbm>> -> memref<16xi32, #tpu.memory_space<hbm>>
      %dma_start3A_37 = tpu.memref_slice %arg2[%add3A_34] : memref<320000xi32, #tpu.memory_space<hbm>> -> memref<16xi32, #tpu.memory_space<hbm>>
      tpu.enqueue_dma source(%dma_start3A_37 : memref<16xi32, #tpu.memory_space<hbm>>) target(%arg8 : memref<16xi32, #tpu.memory_space<vmem>>) target_semaphore(%run_scoped3A : memref<!tpu.dma_semaphore, #tpu.memory_space<semaphore_mem>>)
      %dma_wait3A_38 = tpu.memref_slice %arg2[%add3A_34] : memref<320000xi32, #tpu.memory_space<hbm>> -> memref<16xi32, #tpu.memory_space<hbm>>
      %dma_wait3A_39 = tpu.memref_slice %arg2[%add3A_34] : memref<320000xi32, #tpu.memory_space<hbm>> -> memref<16xi32, #tpu.memory_space<hbm>>
      tpu.wait_dma2 semaphore(%run_scoped3A : memref<!tpu.dma_semaphore, #tpu.memory_space<semaphore_mem>>) src(%dma_wait3A_39 : memref<16xi32, #tpu.memory_space<hbm>>) dst(%arg8 : memref<16xi32, #tpu.memory_space<vmem>>)
      tpu.yield
    }) : () -> ()
    "tpu.region"() ({
      %run_scoped3A = tpu.sem_alloc : memref<!tpu.dma_semaphore, #tpu.memory_space<semaphore_mem>>
      %dma_start3A_36 = arith.constant 0 : i32
      %dma_start3A_37 = arith.constant 0 : i32
      %dma_start3A_38 = tpu.memref_slice %arg9[%dma_start3A_36, %dma_start3A_37] : memref<128x128xf32, #tpu.memory_space<vmem>> -> memref<16x128xf32, #tpu.memory_space<vmem>>
      %dma_start3A_39 = arith.constant 0 : i32
      %dma_start3A_40 = arith.constant 0 : i32
      %dma_start3A_41 = tpu.memref_slice %arg11[%dma_start3A_39, %dma_start3A_40] : memref<10112x128xf32, #tpu.memory_space<vmem_shared>> -> memref<10112x128xf32, #tpu.memory_space<vmem_shared>>
      tpu.enqueue_indirect_dma source(%dma_start3A_38 : memref<16x128xf32, #tpu.memory_space<vmem>>) target(%dma_start3A_41 : memref<10112x128xf32, #tpu.memory_space<vmem_shared>>) offsets(%arg8 : memref<16xi32, #tpu.memory_space<vmem>>) semaphore(%run_scoped3A : memref<!tpu.dma_semaphore, #tpu.memory_space<semaphore_mem>>) {add = true}
      %dma_wait3A_42 = arith.constant 0 : i32
      %dma_wait3A_43 = arith.constant 0 : i32
      %dma_wait3A_44 = tpu.memref_slice %arg9[%dma_wait3A_42, %dma_wait3A_43] : memref<128x128xf32, #tpu.memory_space<vmem>> -> memref<16x128xf32, #tpu.memory_space<vmem>>
      %dma_wait3A_45 = arith.constant 0 : i32
      %dma_wait3A_46 = arith.constant 0 : i32
      %dma_wait3A_47 = tpu.memref_slice %arg11[%dma_wait3A_45, %dma_wait3A_46] : memref<10112x128xf32, #tpu.memory_space<vmem_shared>> -> memref<10112x128xf32, #tpu.memory_space<vmem_shared>>
      tpu.wait_indirect_dma semaphore(%run_scoped3A : memref<!tpu.dma_semaphore, #tpu.memory_space<semaphore_mem>>) src(%dma_wait3A_44 : memref<16x128xf32, #tpu.memory_space<vmem>>) dst(%dma_wait3A_47 : memref<10112x128xf32, #tpu.memory_space<vmem_shared>>)
      tpu.yield
    }) : () -> ()
    %barrier3A_35 = arith.constant 0 : index
    tpu.barrier barrier_id(%barrier3A_35)
    "tpu.region"() ({
      %run_scoped3A = tpu.sem_alloc : memref<!tpu.dma_semaphore, #tpu.memory_space<semaphore_mem>>
      %dma_start3A_36 = arith.constant 0 : i32
      %dma_start3A_37 = tpu.memref_slice %arg5[%arg0, %mul3A_4, %dma_start3A_36] : memref<2x10112x128xf32, #tpu.memory_space<hbm>> -> memref<1x632x128xf32, #tpu.memory_space<hbm>>
      %dma_start3A_38 = tpu.memref_squeeze %dma_start3A_37 : memref<1x632x128xf32, #tpu.memory_space<hbm>> -> memref<632x128xf32, #tpu.memory_space<hbm>>
      %dma_start3A_39 = arith.constant 0 : i32
      %dma_start3A_40 = tpu.memref_slice %arg11[%mul3A_4, %dma_start3A_39] : memref<10112x128xf32, #tpu.memory_space<vmem_shared>> -> memref<632x128xf32, #tpu.memory_space<vmem_shared>>
      tpu.enqueue_dma source(%dma_start3A_40 : memref<632x128xf32, #tpu.memory_space<vmem_shared>>) target(%dma_start3A_38 : memref<632x128xf32, #tpu.memory_space<hbm>>) target_semaphore(%run_scoped3A : memref<!tpu.dma_semaphore, #tpu.memory_space<semaphore_mem>>)
      %dma_wait3A_41 = arith.constant 0 : i32
      %dma_wait3A_42 = tpu.memref_slice %arg5[%arg0, %mul3A_4, %dma_wait3A_41] : memref<2x10112x128xf32, #tpu.memory_space<hbm>> -> memref<1x632x128xf32, #tpu.memory_space<hbm>>
      %dma_wait3A_43 = tpu.memref_squeeze %dma_wait3A_42 : memref<1x632x128xf32, #tpu.memory_space<hbm>> -> memref<632x128xf32, #tpu.memory_space<hbm>>
      %dma_wait3A_44 = arith.constant 0 : i32
      %dma_wait3A_45 = tpu.memref_slice %arg11[%mul3A_4, %dma_wait3A_44] : memref<10112x128xf32, #tpu.memory_space<vmem_shared>> -> memref<632x128xf32, #tpu.memory_space<vmem_shared>>
      tpu.wait_dma2 semaphore(%run_scoped3A : memref<!tpu.dma_semaphore, #tpu.memory_space<semaphore_mem>>) src(%dma_wait3A_45 : memref<632x128xf32, #tpu.memory_space<vmem_shared>>) dst(%dma_wait3A_43 : memref<632x128xf32, #tpu.memory_space<hbm>>)
      tpu.yield
    }) : () -> ()
    return
  }
}

</mosaic_0001>

<sc_bundles>
// kernel: _sc_degree.3.cloned.1.call-start
scs
__scs_entry_jumppad:
0x0: {  	(pc) =	sbr.rel $0x88, $3  }
0x1: {  	(tag) =	ssettag $0x0;
	lr =	simm.s32 $0x1  }
0x2: {  	[smem:$0x3FA0] =	sst lr;
	_ =	strace $0xD0000000  }
0x3: {  	_ = 	snop  }
0x4: {  	_ = 	snop  }
0x5: {  	_ = 	snop  }
0x6: {  	_ = 	snop  }
0x7: {  	_ = 	snop  }
__scs_overlays_trampoline_lowered:
0x8: {  	[smem:$0x3FAF] =	sst s0  }
0x9: {  	[smem:$0x3FB0] =	sst s1  }
0xa: {  	[smem:$0x3FB1] =	sst s2  }
0xb: {  	[smem:$0x3FB2] =	sst s3  }
0xc: {  	[smem:$0x3FB3] =	sst s4  }
0xd: {  	[smem:$0x3FB4] =	sst s5  }
0xe: {  	[smem:$0x3FB5] =	sst s6  }
0xf: {  	[smem:$0x3FB6] =	sst s7  }
0x10: {  	[smem:$0x3FB7] =	sst s8  }
0x11: {  	[smem:$0x3FB8] =	sst s9;
	s0 =	simm.s32 @!p0 $0x0  }
0x12: {  	s1 =	sld [smem:$0x3F9E];
	s0 =	simm.s32 @p0 $0x1  }
0x13: {  	[smem:$0x3FB9] =	sst s0;
	s0 =	simm.s32 @!p1 $0x0  }
0x14: {  	s2 =	sld [smem:$0x3F9D];
	s0 =	simm.s32 @p1 $0x1  }
0x15: {  	[smem:$0x3FBA] =	sst s0;
	s0 =	simm.s32 @!p2 $0x0  }
0x16: {  	s3 =	sld [smem:$0x3FDB];
	s0 =	simm.s32 @p2 $0x1  }
0x17: {  	s4 =	simm.s32 $0x1BF5;
	[smem:$0x3FBC] =	sst s0  }
0x18: {  	s0 =	sld [smem:$0x3F9F];
	_ =	swait.ge [sflag:s4], $0x0  }
0x19: {  	s7 =	sld [smem:$0x3FA0]  }
0x1a: {  	s8 =	sadd.s32 $0xFFFFE003, lr  }
0x1b: {  	s9 =	sadd.s32 $0xFFFFFEF7, lr;
	s5 =	simm.s32 $0xFFFFFFFF;
	p2 =	slt.u32 s8, $0xFFFFF086  }
0x1c: {  	p1 =	slt.u32 s9, $0xF7A;
	s5 =	simm.s32 @!p2 $0x0  }
0x1d: {  	s5 =	simm.s32 @p1 $0x1;
	p0 =	seq.s32 s7, s2  }
0x1e: {  	s7 =	smul.u32 @!p0 $0xF7A, s2;
	p2 =	seq.s32 @!p0 s5, $0x0  }
0x1f: {  	s9 =	smul.u32 $0xF7A, s1;
	s8 =	simm.s32 @!p0 $0x1BF5;
	p2 =	por !p2, p0  }
0x20: {  	[sflag:s8] =	ssyncset.s32 @!p0 $0xFFFFF086;
	s6 =	sadd.s32 @!p0 s3, s7;
	s7 =	simm.s32 @!p0 $0x108  }
0x21: {  	s3 =	sadd.s32 s3, s9;
	s6 =	sadd.s32 @!p0 $0x88, s6;
	s7 =	simm.s32 @p2 $0x1082  }
0x22: {  	[simem:s7], [sflag:s8] =	dma.local @!p0 [hbm:s6], $0xF7A  }
0x23: {  	s9 =	sor.u32 $0xD0000000, s2;
	s6 =	simm.s32 $0x108;
	_ =	swait.ge @!p0 [sflag:s8], $0x0  }
0x24: {  	s3 =	sadd.s32 $0x88, s3;
	s6 =	simm.s32 @!p1 $0x1082;
	[sflag:s4] =	ssyncset.s32 $0xFFFFF086  }
0x25: {  	[simem:s6], [sflag:s4] =	dma.local [hbm:s3], $0xF7A  }
0x26: {  	[smem:$0x3FA0] =	sst s1;
	(tag) =	ssettag s2;
	_ =	strace s9  }
0x27: {  	s1 =	sld [smem:$0x3FB0]  }
0x28: {  	s2 =	sld [smem:$0x3FB1]  }
0x29: {  	s4 =	sld [smem:$0x3FB3]  }
0x2a: {  	p0 =	seq.s32 s5, $0x0;
	s5 =	sld [smem:$0x3FB4]  }
0x2b: {  	s6 =	sld [smem:$0x3FB5]  }
0x2c: {  	s7 =	sld [smem:$0x3FB6]  }
0x2d: {  	s3 =	simm.s32 $0x108;
	s8 =	sld [smem:$0x3FB7]  }
0x2e: {  	s3 =	simm.s32 @!p0 $0x1082;
	s9 =	sld [smem:$0x3FB8]  }
0x2f: {  	lr =	sadd.s32 s0, s3;
	s0 =	sld [smem:$0x3FAF]  }
0x30: {  	s3 =	sld [smem:$0x3FB2]  }
0x31: {  	[smem:$0x3FBB] =	sst s10  }
0x32: {  	s10 =	sld [smem:$0x3FB9];
	_ =	sdelay $0x3  }
0x33: {  	p0 =	seq.s32 s10, $0x1;
	s10 =	sld [smem:$0x3FBB];
	_ =	sdelay $0x3  }
0x34: {  	[smem:$0x3FBB] =	sst s10  }
0x35: {  	s10 =	sld [smem:$0x3FBA];
	_ =	sdelay $0x3  }
0x36: {  	p1 =	seq.s32 s10, $0x1;
	s10 =	sld [smem:$0x3FBB];
	_ =	sdelay $0x3  }
0x37: {  	[smem:$0x3FBB] =	sst s10  }
0x38: {  	s10 =	sld [smem:$0x3FBC]  }
0x39: {  	_ = 	snop;
	(pc) =	sbr.ind lr, $3  }
0x3a: {  	_ = 	snop  }
0x3b: {  	_ = 	snop  }
0x3c: {  	p2 =	seq.s32 s10, $0x1;
	s10 =	sld [smem:$0x3FBB]  }
0x3d: {  	_ =	shalt  }
0x3e: {  	_ =	shalt  }
0x3f: {  	_ =	shalt  }
0x40: {  	_ =	shalt  }
0x41: {  	_ =	shalt  }
0x42: {  	_ =	shalt  }
0x43: {  	_ =	shalt  }
0x44: {  	_ =	shalt  }
0x45: {  	_ =	shalt  }
0x46: {  	_ =	shalt  }
0x47: {  	_ =	shalt  }
0x48: {  	_ =	shalt  }
0x49: {  	_ =	shalt  }
0x4a: {  	_ =	shalt  }
0x4b: {  	_ =	shalt  }
0x4c: {  	_ =	shalt  }
0x4d: {  	_ =	shalt  }
0x4e: {  	_ =	shalt  }
0x4f: {  	_ =	shalt  }
0x50: {  	_ =	shalt  }
0x51: {  	_ =	shalt  }
0x52: {  	_ =	shalt  }
0x53: {  	_ =	shalt  }
0x54: {  	_ =	shalt  }
0x55: {  	_ =	shalt  }
0x56: {  	_ =	shalt  }
0x57: {  	_ =	shalt  }
0x58: {  	_ =	shalt  }
0x59: {  	_ =	shalt  }
0x5a: {  	_ =	shalt  }
0x5b: {  	_ =	shalt  }
0x5c: {  	_ =	shalt  }
0x5d: {  	_ =	shalt  }
0x5e: {  	_ =	shalt  }
0x5f: {  	_ =	shalt  }
0x60: {  	_ =	shalt  }
0x61: {  	_ =	shalt  }
0x62: {  	_ =	shalt  }
0x63: {  	_ =	shalt  }
0x64: {  	_ =	shalt  }
0x65: {  	_ =	shalt  }
0x66: {  	_ =	shalt  }
0x67: {  	_ =	shalt  }
0x68: {  	_ =	shalt  }
0x69: {  	_ =	shalt  }
0x6a: {  	_ =	shalt  }
0x6b: {  	_ =	shalt  }
0x6c: {  	_ =	shalt  }
0x6d: {  	_ =	shalt  }
0x6e: {  	_ =	shalt  }
0x6f: {  	_ =	shalt  }
0x70: {  	_ =	shalt  }
0x71: {  	_ =	shalt  }
0x72: {  	_ =	shalt  }
0x73: {  	_ =	shalt  }
0x74: {  	_ =	shalt  }
0x75: {  	_ =	shalt  }
0x76: {  	_ =	shalt  }
0x77: {  	_ =	shalt  }
0x78: {  	_ =	shalt  }
0x79: {  	_ =	shalt  }
0x7a: {  	_ =	shalt  }
0x7b: {  	_ =	shalt  }
0x7c: {  	_ =	shalt  }
0x7d: {  	_ =	shalt  }
0x7e: {  	_ =	shalt  }
0x7f: {  	_ =	shalt  }
0x80: {  	_ =	shalt  }
0x81: {  	_ =	shalt  }
0x82: {  	_ =	shalt  }
0x83: {  	_ =	shalt  }
0x84: {  	_ =	shalt  }
0x85: {  	_ =	shalt  }
0x86: {  	_ =	shalt  }
0x87: {  	_ =	shalt  }
.Lfunc_end0:
.L_simem_size_0:
called_computation_lowered:
.L_overlay_start_0:
0x88: {  	s2 =	sld [smem:$0x3FD9]  }
0x89: {  	s3 =	sld [smem:$0x3FFE];
	_ =	sdelay $0x1  }
0x8a: {  	s1 =	srdreg.scid  }
0x8b: {  	s0 =	sand.u32 $0x1, s1  }
0x8c: {  	s17 =	sshll.u32 s0, $0xA;
	s2 =	sadd.s32 s3, s2  }
0x8d: {  	s2 =	sadd.s32 s2, s17  }
0x8e: {  	[smem:$0x3FC7] =	sst s2  }
0x8f: {  	_ = 	snop  }
0x90: {  	s2 =	sld [smem:$0x3FC9]  }
0x91: {  	s18 =	sld [smem:$0x3FD0];
	(tm) =	ssettm $0x1  }
0x92: {  	s4 =	sld [smem:$0x3FFB];
	_ =	sdelay $0x3  }
0x93: {  	_ =	strace s4  }
0x94: {  	s4 =	sld [smem:$0x3FFC];
	_ =	sdelay $0x3  }
0x95: {  	_ =	strace s4  }
0x96: {  	s4 =	sld [smem:$0x3FFD];
	_ =	sdelay $0x3  }
0x97: {  	_ =	strace s4  }
0x98: {  	_ =	strace $0x8FFFFFFF  }
0x99: {  	s19 =	sld [smem:$0x3FDB];
	_ =	sdelay $0x1  }
0x9a: {  	s5 =	simm.s32 $_scs_section_size  }
0x9b: {  	s6 =	simm.s32 $_size__tile_overlayer_lowered;
	s7 =	simm.s32 $_tile_overlayer_lowered  }
0x9c: {  	s22 =	simm.s32 $0x1BFF;
	s21 =	sshll.u32 s7, $0x1;
	s4 =	sadd.s32 s5, s19  }
0x9d: {  	s8 =	simm.s32 $0x0;
	s20 =	sshll.u32 s6, $0x1;
	s6 =	sadd.s32 s21, s4  }
0x9e: {  	[timem:s8], [sflag:s22] =	dma.local [hbm:s6], s20  }
0x9f: {  	_ =	swait.ge [sflag:s22], s20  }
0xa0: {  	s5 =	ssub.s32 $0x0, s20;
	[sflag:s22] =	ssyncset.done $0x0  }
0xa1: {  	[sflag:s22] =	ssyncadd.s32 s5;
	_ =	sdelay $0x1  }
0xa2: {  	s23 =	simm.s32 $0x1B8B  }
0xa3: {  	_ =	swait.ge [sflag:s23], $0x1  }
0xa4: {  	[sflag:s23] =	ssyncset.done $0x0  }
0xa5: {  	s25 =	simm.s32 $0x1B8E;
	s24 =	sld [smem:$0x3FFE];
	[sflag:s23] =	ssyncadd.s32 $0xFFFFFFFF  }
0xa6: {  	s26 =	simm.s32 $execute0_lowered;
	[smem:$0x3FD2] =	sst s25  }
0xa7: {  	s6 =	sshll.u32 s26, $0x1;
	_ =	strace $0x80000046;
	[dreg:$0x1] =	wrdreg $0xFFFFFFFF  }
0xa8: {  	s28 =	simm.s32 $_size_execute0_lowered;
	s4 =	sadd.s32 s4, s6;
	[dreg:$0x0] =	wrdreg $0x0  }
0xa9: {  	s6 =	sshll.u32 s28, $0x1;
	[dreg:$0x2] =	wrdreg s4  }
0xaa: {  	[dreg:$0x3] =	wrdreg s6  }
0xab: {  	[dreg:$0x4] =	wrdreg $0xC0  }
0xac: {  	_ =	task [dreg:s8], $0x5FFFF  }
0xad: {  	[dreg:$0x1] =	wrdreg $0xFFFFFFFF  }
0xae: {  	[dreg:$0x0] =	wrdreg $0x60  }
0xaf: {  	[dreg:$0x2] =	wrdreg s2  }
0xb0: {  	[dreg:$0x3] =	wrdreg s24  }
0xb1: {  	[dreg:$0x4] =	wrdreg s18  }
0xb2: {  	[dreg:$0x5] =	wrdreg $0x81800  }
0xb3: {  	[dreg:$0x6] =	wrdreg $0x9  }
0xb4: {  	_ =	task.clear_ibuf [dreg:s8], $0x7FFFF;
	_ =	strace $0x90000046  }
0xb5: {  	s29 =	simm.s32 $0x9;
	_ =	strace $0x80000048  }
0xb6: {  	_ =	swait.ge [sflag:s29], $0x1  }
0xb7: {  	[sflag:s29] =	ssyncadd.s32 $0xFFFFFFFF  }
0xb8: {  	_ =	strace $0x90000048  }
0xb9: {  	_ =	sfence  }
0xba: {  	s30 =	sld [smem:$0x0];
	_ =	sdelay $0x2  }
0xbb: {  	s31 =	sshll.u32 s1, $0xD;
	s1 =	sshrl.u32 s1, $0x2  }
0xbc: {  	s3 =	sand.u32 $0x4000, s31;
	s1 =	sadd.s32 s1, s30  }
0xbd: {  	s0 =	sor.u32 s3, s0;
	s1 =	sshll.u32 s1, $0x11  }
0xbe: {  	s0 =	sor.u32 s1, s0  }
0xbf: {  	s0 =	sadd.s32 $0x8F2B, s0  }
0xc0: {  	[sflag:s0] =	ssyncadd.remote.s32 $0x1  }
0xc1: {  	_ =	sfence.sel $0xFFFF  }
0xc2: {  	[dreg:$0x0] =	wrdreg $0xFFFFFFFF;
	(pc) =	sbr.abs _section_cstart, $3  }
0xc3: {  	[dreg:$0x1] =	wrdreg $0xFFFFFFFF  }
0xc4: {  	_ =	task.clear_ibuf [dreg:s8], $0x2FFFF;
	_ =	strace $0x9FFFFFFF  }
0xc5: {  	(tm) =	ssettm $0x7FFFFFFF  }
tec
execute0_lowered:
.L_overlay_start_1:
0x0: {  	(tag) =	ssettag $0x1  }
0x1: {  	s0 =	rddreg [dreg:$0x0]  }
0x2: {  	s6 =	rddreg [dreg:$0x1]  }
0x3: {  	s1 =	srdreg.scid;
	s15 =	rddreg [dreg:$0x2]  }
0x4: {  	s3 =	rddreg [dreg:$0x3];
	s2 =	stileid.u32;
	s4 =	simm.s32 $0x0  }
0x5: {  	s20 =	simm.s32 $0x3;
	s21 =	simm.s32 $0x4180;
	s22 =	simm.s32 $0x1  }
0x6: {  	s23 =	simm.s32 $0x80;
	s24 =	simm.s32 $0x2;
	s25 =	simm.s32 $0x100  }
0x7: {  	s26 =	simm.s32 $0x10;
	s28 =	simm.s32 $0x0;
	s7 =	smul.u32 $0x4F000, s2  }
0x8: {  	s8 =	sand.u32 $0x1, s1;
	s1 =	rddreg [dreg:$0x4];
	s14 =	smul.u32 $0x13C00, s2  }
0x9: {  	[smem:$0x7FF] =	sst s4;
	s18 =	smul.u32 $0x2710, s2;
	s5 =	sshll.u32 s8, $0x4  }
0xa: {  	_ =	strace $0x80000047;
	s9 =	ssub.s32 $0x2, s8;
	s13 =	smul.u32 $0x13C000, s8  }
0xb: {  	s17 =	smul.u32 $0x27100, s8;
	s5 =	sor.u32 s2, s5;
	s10 =	sshrl.u32 s9, $0x1  }
0xc: {  	s7 =	sshrl.u32 s7, $0x2;
	s12 =	smul.u32 $0x2710, s5;
	s5 =	sadd.s32 $0x400, s6  }
0xd: {  	s6 =	sadd.s32 $0xC00, s6;
	s16 =	ssub.s32 s9, s10;
	s7 =	sadd.s32 s7, s3  }
0xe: {  	s14 =	sadd.s32 s14, s13;
	s17 =	sadd.s32 s18, s17;
	s8 =	sadd.s32 $0x4000, s7  }
0xf: {  	s9 =	sadd.s32 $0x8000, s7;
	s10 =	sadd.s32 $0xC000, s7;
	s11 =	sadd.s32 $0x10000, s7  }
0x10: {  	s30 =	sshrl.u32 s14, $0x3;
	s19 =	sadd.s32 $0x80, s17;
	s16 =	smax.u32 s16, $0x1  }
0x11: {  	s17 =	sadd.s32 $0x100, s17;
	s12 =	sshrl.u32 s12, $0x3;
	s15 =	sadd.s32 s15, s30  }
0x12: {  	s31 =	sshrl.u32 s19, $0x3;
	s19 =	simm.s32 $0x180;
	s12 =	sadd.s32 s0, s12  }
0x13: {  	s18 =	sadd.s32 s31, s0;
	s13 =	sadd.s32 $0x4D0, s12;
	s14 =	sadd.s32 $0x4E0, s12  }
.LBB2_1:
0x14: {  	[tilespmem:s19], [sflag:$0x3] =	stream.linear.gather [hbm4b:s5+s4], $0x4000, $0x38;
	[tilespmem:$0x1BD80] =	vst v63  }
0x15: {  	_ =	swait.ge [sflag:s20], $0x4000  }
0x16: {  	[sflag:s20] =	ssyncset.done $0x0  }
0x17: {  	[sflag:s20] =	ssyncadd.s32 $0xFFFFC000  }
0x18: {  	[tilespmem:s21], [sflag:$0x3] =	stream.linear.gather [hbm4b:s6+s4], $0x4000, $0x38;
	[tilespmem:$0x1BD80] =	vst v63  }
0x19: {  	_ =	swait.ge [sflag:s20], $0x4000  }
0x1a: {  	[sflag:s20] =	ssyncset.done $0x0  }
0x1b: {  	[sflag:s20] =	ssyncadd.s32 $0xFFFFC000  }
0x1c: {  	[spmem:s7] =	stream.linear.scatter [tilespmem:s21], [sflag:$0x3], $0x4000, $0x38;
	[tilespmem:$0x1BD80] =	vst v63  }
0x1d: {  	_ =	swait.ge [sflag:s20], $0x4000  }
0x1e: {  	[sflag:s20] =	ssyncset.done $0x0  }
0x1f: {  	[sflag:s20] =	ssyncadd.s32 $0xFFFFC000  }
0x20: {  	[spmem:s8] =	stream.linear.scatter [tilespmem:s21], [sflag:$0x3], $0x4000, $0x38;
	[tilespmem:$0x1BD80] =	vst v63  }
0x21: {  	_ =	swait.ge [sflag:s20], $0x4000  }
0x22: {  	[sflag:s20] =	ssyncset.done $0x0  }
0x23: {  	[sflag:s20] =	ssyncadd.s32 $0xFFFFC000  }
0x24: {  	[spmem:s9] =	stream.linear.scatter [tilespmem:s21], [sflag:$0x3], $0x4000, $0x38;
	[tilespmem:$0x1BD80] =	vst v63  }
0x25: {  	_ =	swait.ge [sflag:s20], $0x4000  }
0x26: {  	[sflag:s20] =	ssyncset.done $0x0  }
0x27: {  	[sflag:s20] =	ssyncadd.s32 $0xFFFFC000  }
0x28: {  	[spmem:s10] =	stream.linear.scatter [tilespmem:s21], [sflag:$0x3], $0x4000, $0x38;
	[tilespmem:$0x1BD80] =	vst v63  }
0x29: {  	_ =	swait.ge [sflag:s20], $0x4000  }
0x2a: {  	[sflag:s20] =	ssyncset.done $0x0  }
0x2b: {  	[sflag:s20] =	ssyncadd.s32 $0xFFFFC000  }
0x2c: {  	[spmem:s11] =	stream.linear.scatter [tilespmem:s21], [sflag:$0x3], $0x3C00, $0x38;
	[tilespmem:$0x1BD80] =	vst v63  }
0x2d: {  	_ =	swait.ge [sflag:s20], $0x3C00  }
0x2e: {  	[sflag:s20] =	ssyncset.done $0x0  }
0x2f: {  	[sflag:s20] =	ssyncadd.s32 $0xFFFFC400  }
0x30: {  	[bflag:$0x0] =	sbarrier.arrive $0xFFFF  }
0x31: {  	[tilespmem:s4], [sflag:$0x1] =	stream.linear.gather [hbm4b:s12+s4], $0x80, $0x38;
	[tilespmem:$0x1BD80] =	vst v63  }
0x32: {  	_ =	swait.ge [sflag:s22], $0x80  }
0x33: {  	[sflag:s22] =	ssyncset.done $0x0  }
0x34: {  	s29 =	sadd.s32 $0x0, s18;
	[sflag:s22] =	ssyncadd.s32 $0xFFFFFF80  }
0x35: {  	[tilespmem:s23], [sflag:$0x2] =	stream.linear.gather [hbm4b:s29+s4], $0x80, $0x38;
	[tilespmem:$0x1BD80] =	vst v63  }
0x36: {  	_ = 	snop  }
0x37: {  	[spmem:s3] =	stream.indirect.scatter.add.f32 [tilespmem:s19], [sflag:$0x3], $0x80, s4, s23, $0xb8;
	[tilespmem:$0x1BD80] =	vst v63  }
0x38: {  	_ =	swait.ge [sflag:s20], $0x4000  }
0x39: {  	[sflag:s20] =	ssyncset.done $0x0  }
0x3a: {  	[sflag:s20] =	ssyncadd.s32 $0xFFFFC000  }
0x3b: {  	_ =	swait.ge [sflag:s24], $0x80  }
0x3c: {  	s29 =	sshrl.u32 s17, $0x3;
	[sflag:s24] =	ssyncset.done $0x0  }
0x3d: {  	s29 =	sadd.s32 s0, s29;
	[sflag:s24] =	ssyncadd.s32 $0xFFFFFF80  }
0x3e: {  	[tilespmem:s4], [sflag:$0x1] =	stream.linear.gather [hbm4b:s29+s4], $0x80, $0x38;
	[tilespmem:$0x1BD80] =	vst v63  }
0x3f: {  	_ = 	snop  }
0x40: {  	[spmem:s3] =	stream.indirect.scatter.add.f32 [tilespmem:s19], [sflag:$0x3], $0x80, s23, s23, $0xb8;
	[tilespmem:$0x1BD80] =	vst v63  }
0x41: {  	_ =	swait.ge [sflag:s20], $0x4000  }
0x42: {  	s30 =	smov.u32 s17;
	s29 =	simm.s32 $0x20;
	[sflag:s20] =	ssyncset.done $0x0  }
.LBB2_2:
0x43: {  	p0 =	sne.s32 s29, $0x4A0;
	[sflag:s20] =	ssyncadd.s32 $0xFFFFC000;
	s30 =	sadd.s32 $0x100, s30  }
0x44: {  	s31 =	smov.u32 s29;
	s29 =	sadd.s32 $0x20, s29  }
0x45: {  	_ =	swait.ge [sflag:s22], $0x80  }
0x46: {  	[sflag:s22] =	ssyncset.done $0x0  }
0x47: {  	s31 =	sadd.s32 s31, s18;
	[sflag:s22] =	ssyncadd.s32 $0xFFFFFF80  }
0x48: {  	[tilespmem:s23], [sflag:$0x2] =	stream.linear.gather [hbm4b:s31+s4], $0x80, $0x38;
	[tilespmem:$0x1BD80] =	vst v63  }
0x49: {  	_ = 	snop  }
0x4a: {  	[spmem:s3] =	stream.indirect.scatter.add.f32 [tilespmem:s19], [sflag:$0x3], $0x80, s4, s23, $0xb8;
	[tilespmem:$0x1BD80] =	vst v63  }
0x4b: {  	_ =	swait.ge [sflag:s20], $0x4000  }
0x4c: {  	[sflag:s20] =	ssyncset.done $0x0  }
0x4d: {  	[sflag:s20] =	ssyncadd.s32 $0xFFFFC000  }
0x4e: {  	_ =	swait.ge [sflag:s24], $0x80  }
0x4f: {  	s31 =	sshrl.u32 s30, $0x3;
	[sflag:s24] =	ssyncset.done $0x0  }
0x50: {  	s31 =	sadd.s32 s0, s31;
	[sflag:s24] =	ssyncadd.s32 $0xFFFFFF80  }
0x51: {  	[tilespmem:s4], [sflag:$0x1] =	stream.linear.gather [hbm4b:s31+s4], $0x80, $0x38;
	[tilespmem:$0x1BD80] =	vst v63  }
.Ltmp0:
0x52: {  	_ = 	snop;
	(pc) =	sbr.rel @p0 .LBB2_2-.Ltmp0, $4  }
0x53: {  	_ = 	snop  }
0x54: {  	[spmem:s3] =	stream.indirect.scatter.add.f32 [tilespmem:s19], [sflag:$0x3], $0x80, s23, s23, $0xb8;
	[tilespmem:$0x1BD80] =	vst v63  }
0x55: {  	_ =	swait.ge [sflag:s20], $0x4000  }
0x56: {  	[sflag:s20] =	ssyncset.done $0x0  }
0x57: {  	[sflag:s20] =	ssyncadd.s32 $0xFFFFC000  }
0x58: {  	_ =	swait.ge [sflag:s22], $0x80  }
0x59: {  	[sflag:s22] =	ssyncset.done $0x0  }
0x5a: {  	[sflag:s22] =	ssyncadd.s32 $0xFFFFFF80  }
0x5b: {  	[tilespmem:s23], [sflag:$0x2] =	stream.linear.gather [hbm4b:s13+s4], $0x80, $0x38;
	[tilespmem:$0x1BD80] =	vst v63  }
0x5c: {  	_ = 	snop  }
0x5d: {  	[spmem:s3] =	stream.indirect.scatter.add.f32 [tilespmem:s19], [sflag:$0x3], $0x80, s4, s23, $0xb8;
	[tilespmem:$0x1BD80] =	vst v63  }
0x5e: {  	_ =	swait.ge [sflag:s20], $0x4000  }
0x5f: {  	[sflag:s20] =	ssyncset.done $0x0  }
0x60: {  	[sflag:s20] =	ssyncadd.s32 $0xFFFFC000  }
0x61: {  	_ =	swait.ge [sflag:s24], $0x80  }
0x62: {  	[sflag:s24] =	ssyncset.done $0x0  }
0x63: {  	[sflag:s24] =	ssyncadd.s32 $0xFFFFFF80  }
0x64: {  	[spmem:s3] =	stream.indirect.scatter.add.f32 [tilespmem:s19], [sflag:$0x3], $0x80, s23, s23, $0xb8;
	[tilespmem:$0x1BD80] =	vst v63  }
0x65: {  	_ =	swait.ge [sflag:s20], $0x4000  }
0x66: {  	[sflag:s20] =	ssyncset.done $0x0  }
0x67: {  	[sflag:s20] =	ssyncadd.s32 $0xFFFFC000  }
0x68: {  	[tilespmem:s25], [sflag:$0x3] =	stream.linear.gather [hbm4b:s14+s4], $0x10, $0x38;
	[tilespmem:$0x1BD80] =	vst v63  }
0x69: {  	_ =	swait.ge [sflag:s20], $0x10  }
0x6a: {  	[sflag:s20] =	ssyncset.done $0x0  }
0x6b: {  	[sflag:s20] =	ssyncadd.s32 $0xFFFFFFF0  }
0x6c: {  	[spmem:s3] =	stream.indirect.scatter.add.f32 [tilespmem:s19], [sflag:$0x3], $0x80, s25, s26, $0xb8;
	[tilespmem:$0x1BD80] =	vst v63  }
0x6d: {  	_ =	swait.ge [sflag:s20], $0x800  }
0x6e: {  	s29 =	sshll.u32 s2, $0x6;
	s28 =	sadd.s32 $0x1, s28;
	[sflag:s20] =	ssyncset.done $0x0  }
0x6f: {  	s30 =	sshrl.u32 s7, $0x3;
	p0 =	sne.s32 s28, s16;
	[sflag:s20] =	ssyncadd.s32 $0xFFFFF800  }
.Ltmp1:
0x70: {  	s29 =	sor.u32 $0x1C03, s29;
	[bflag:$0x0] =	sbarrier.arrive $0xFFFF;
	(pc) =	sbr.rel @p0 .LBB2_1-.Ltmp1, $4  }
0x71: {  	[hbm:s15], [sflag:s29] =	dma.local [spmem:s30], $0x2780  }
0x72: {  	_ =	swait.ge [sflag:s20], $0x2780  }
0x73: {  	[sflag:s20] =	ssyncset.done $0x0  }
0x74: {  	[sflag:s20] =	ssyncadd.s32 $0xFFFFD880  }
0x75: {  	_ =	sfence.sel $0x180000  }
0x76: {  	[bflag:$0x0] =	sbarrier.arrive $0xFFFF  }
0x77: {  	p0 =	sne.s32 s2, $0x0;
	_ =	strace $0x90000047  }
0x78: {  	s0 =	sadd.s32 @!p0 $0x100000, s1;
	[bflag:$0x2] =	sbarrier.arrive $0xFFFF  }
0x79: {  	[sflag:s0] =	ssyncadd.tile.s32 @!p0 $0x1;
	_ =	shalt  }
.Lfunc_end2:
_tile_overlayer_lowered:
.L_overlay_start_2:
0x7a: {  	(tag) =	ssettag $0x2  }
0x7b: {  	s0 =	rddreg [dreg:$0x0];
	s2 =	stileid.u32  }
0x7c: {  	s1 =	rddreg [dreg:$0x1];
	p0 =	sne.s32 s2, $0x0  }
0x7d: {  	s3 =	rddreg [dreg:$0x2];
	[bflag:$0x3] =	sbarrier.arrive $0xFFFF;
	s2 =	simm.s32 @!p0 $0x1C03  }
0x7e: {  	[timem:s3], [sflag:s2] =	dma.local @!p0 [hbm:s0], s1  }
0x7f: {  	s0 =	simm.s32 @!p0 $0x3  }
0x80: {  	_ =	swait.ge @!p0 [sflag:s0], s1  }
0x81: {  	s1 =	ssub.s32 @!p0 $0x0, s1;
	[sflag:s0] =	ssyncset.done @!p0 $0x0  }
0x82: {  	[sflag:s0] =	ssyncadd.s32 @!p0 s1  }
0x83: {  	[bflag:$0x3] =	sbarrier.arrive $0xFFFF  }
0x84: {  	_ =	shalt  }

</sc_bundles>
